<compile_context>
chip_gen: v7x
topology: tpu7x:2x2x1
jax: 0.10.2.dev20260603
libtpu: 0.0.44.dev20260713+nightly
codegen_flags: <defaults>
</compile_context>

<pallas_src>
import functools

import jax
import jax.numpy as jnp
from jax import lax
from jax.experimental import pallas as pl
from jax.experimental.pallas import tpu as pltpu
from jax.experimental.pallas import tpu_sc as plsc

B, V, N = 32, 128, 4096
W = N // 4
GRP = 16
NGRP = V // GRP
NC = 2


def _simple_greedy_sc(rank, mask_words):
    mesh = plsc.VectorSubcoreMesh(core_axis_name="c", subcore_axis_name="s")

    @functools.partial(
        pl.kernel,
        mesh=mesh,
        compiler_params=pltpu.CompilerParams(needs_layout_passes=False),
        out_type=[
            jax.ShapeDtypeStruct((B, V), jnp.int32),
            jax.ShapeDtypeStruct((B, V), jnp.float32),
            jax.ShapeDtypeStruct((B, 16), jnp.float32),
        ],
        scratch_types=[
            pltpu.VMEM((N,), jnp.float32),
            pltpu.VMEM((N,), jnp.int32),
            pltpu.VMEM((GRP, N), jnp.int32),
            pltpu.VMEM((V,), jnp.int32),
            pltpu.VMEM((V,), jnp.float32),
            pltpu.VMEM((16,), jnp.float32),
        ],
    )
    def k(rank_hbm, mask_bool_hbm, sel_hbm, mv_hbm, neg_hbm,
          rank_v, inv_v, buf_v, sel_s, mv_s, neg_s):
        b = lax.axis_index("s") * NC + lax.axis_index("c")
        lane = lax.iota(jnp.int32, 16)

        pltpu.sync_copy(rank_hbm.at[b], rank_v)

        def p1(c, carry):
            rv = rank_v[pl.ds(c * 16, 16)]
            ri = rv.astype(jnp.int32) - 1
            plsc.store_scatter(inv_v, [ri], lane + c * 16)
            return carry

        lax.fori_loop(0, N // 16, p1, 0)

        def p2(g, carry):
            pltpu.sync_copy(mask_bool_hbm.at[pl.ds(b * V + g * GRP, GRP)], buf_v)

            def cond(st):
                d, mv, sel = st
                return (d < N) & (jnp.min(mv) == 0.0)

            def body(st):
                d, mv, sel = st
                invd = plsc.load_gather(inv_v, [jnp.broadcast_to(d, (16,))])
                bit = plsc.load_gather(buf_v, [lane, invd])
                newly = (mv == 0.0) & (bit == 0)
                mv = jnp.where(newly, (d + 1).astype(jnp.float32), mv)
                sel = jnp.where(newly, invd + 1, sel)
                return d + 1, mv, sel

            st0 = (jnp.int32(0), jnp.zeros((16,), jnp.float32),
                   jnp.zeros((16,), jnp.int32))
            _, mv, sel = lax.while_loop(cond, body, st0)
            mv = jnp.where(mv == 0.0, jnp.float32(jnp.inf), mv)
            sel = jnp.where(sel == 0, 1, sel)
            mv_s[pl.ds(g * GRP, GRP)] = mv
            sel_s[pl.ds(g * GRP, GRP)] = sel
            return carry

        lax.fori_loop(0, NGRP, p2, 0)

        def p3(g, cnt):
            mvc = mv_s[pl.ds(g * GRP, GRP)]
            fin = (mvc < jnp.float32(N + 1)).astype(jnp.int32)
            return cnt + jnp.sum(fin)

        cnt = lax.fori_loop(0, NGRP, p3, jnp.int32(0))
        neg_s[...] = jnp.broadcast_to(-cnt.astype(jnp.float32), (16,))

        pltpu.sync_copy(sel_s, sel_hbm.at[b])
        pltpu.sync_copy(mv_s, mv_hbm.at[b])
        pltpu.sync_copy(neg_s, neg_hbm.at[b])

    return k(rank, mask_words)


def kernel(rank, mask):
    sel, mv, neg = _simple_greedy_sc(rank, mask.reshape(B * V, N))
    return (neg[:, 0], sel, mv)

# --- scband reference (transcript-rebuilt; emitter-appended) ---
"""Pipeline reference for scband-simple-greedy-71966472012049 (READ-ONLY COPY).

The authoritative reference and input builder live on the scoring server;
editing this copy changes nothing except your own understanding.
"""

import jax, jax.numpy as jnp
import numpy as np

B, V, N = 32, 128, 4096

def setup_inputs(seed: int = 0) -> dict:
    key = jax.random.key(seed)
    k1, k2 = jax.random.split(key)
    # 'rank' stands in for permute_uniform(arange(1, U+1)): a uniformly random
    # per-row permutation (argsort of iid uniforms is exactly Fisher-Yates-uniform).
    u = jax.random.uniform(k1, (B, N), dtype=jnp.float32)
    rank = (jnp.argsort(u, axis=1) + 1).astype(jnp.float32)
    # 'mask' is the per-decode-step availability mask produced by state.get_mask()
    # across the V steps of the while loop (True = masked out / unavailable).
    mask = jax.random.randint(k2, (B, V, N), 0, 2).astype(bool)
    return {"rank": rank, "mask": mask}

def reference(rank, mask):
    # Original loop body per step t:
    #   r = rank.clone(); r[mask_t] = inf
    #   selected_t = argmin(r, dim=1) + 1
    # With the per-step masks precomputed, the V greedy steps vectorize:
    masked = jnp.where(mask, jnp.inf, rank[:, None, :])          # [B, V, N]
    selected = jnp.argmin(masked, axis=2) + 1                    # [B, V] sequences
    min_vals = jnp.min(masked, axis=2)                           # [B, V] chosen ranks
    # -state.size analogue: negative count of steps where a real (unmasked)
    # vertex was matched.
    neg_size = -jnp.sum(jnp.isfinite(min_vals).astype(jnp.float32), axis=1)  # [B]
    return (neg_size, selected, min_vals)

if __name__ == "__main__":
    import jax
    _d = setup_inputs()
    print(jax.jit(kernel)(*tuple(_d.values())))

</pallas_src>

<mosaic_0001>
#map = affine_map<(d0, d1) -> (0, 0)>
module attributes {stable_mosaic.version = 14 : i64} {
  func.func @k(%arg0: i32, %arg1: i32, %arg2: memref<32x4096xf32, #tpu.memory_space<hbm>>, %arg3: memref<4096x4096xi32, #tpu.memory_space<hbm>>, %arg4: memref<32x128xi32, #tpu.memory_space<hbm>>, %arg5: memref<32x128xf32, #tpu.memory_space<hbm>>, %arg6: memref<32x16xf32, #tpu.memory_space<hbm>>, %arg7: memref<4096xf32, #tpu.memory_space<vmem>>, %arg8: memref<4096xi32, #tpu.memory_space<vmem>>, %arg9: memref<16x4096xi32, #tpu.memory_space<vmem>>, %arg10: memref<128xi32, #tpu.memory_space<vmem>>, %arg11: memref<128xf32, #tpu.memory_space<vmem>>, %arg12: memref<16xf32, #tpu.memory_space<vmem>>) attributes {dimension_semantics = [#tpu.dimension_semantics<core_parallel>, #tpu.dimension_semantics<subcore_parallel>], iteration_bounds = array<i64: 2, 16>, scalar_prefetch = 0 : i64, scratch_operands = 6 : i64, tpu.core_type = #tpu.core_type<sc_vector_subcore>, window_params = [{transform_indices = #map}, {transform_indices = #map}, {transform_indices = #map}, {transform_indices = #map}, {transform_indices = #map}]} {
    %mul3A = arith.constant 2 : i32
    %mul3A_0 = arith.muli %arg1, %mul3A : i32
    %add3A = arith.addi %mul3A_0, %arg0 : i32
    %iota3A = tpu.iota {dimensions = array<i32: 0>} : vector<16xi32>
    "tpu.region"() ({
      %run_scoped3A = tpu.sem_alloc : memref<!tpu.dma_semaphore, #tpu.memory_space<semaphore_mem>>
      %dma_start3A = arith.constant 0 : i32
      %dma_start3A_21 = tpu.memref_slice %arg2[%add3A, %dma_start3A] : memref<32x4096xf32, #tpu.memory_space<hbm>> -> memref<1x4096xf32, #tpu.memory_space<hbm>>
      %dma_start3A_22 = tpu.memref_squeeze %dma_start3A_21 : memref<1x4096xf32, #tpu.memory_space<hbm>> -> memref<4096xf32, #tpu.memory_space<hbm>>
      %dma_start3A_23 = arith.constant 0 : i32
      %dma_start3A_24 = tpu.memref_slice %arg2[%add3A, %dma_start3A_23] : memref<32x4096xf32, #tpu.memory_space<hbm>> -> memref<1x4096xf32, #tpu.memory_space<hbm>>
      %dma_start3A_25 = tpu.memref_squeeze %dma_start3A_24 : memref<1x4096xf32, #tpu.memory_space<hbm>> -> memref<4096xf32, #tpu.memory_space<hbm>>
      tpu.enqueue_dma source(%dma_start3A_25 : memref<4096xf32, #tpu.memory_space<hbm>>) target(%arg7 : memref<4096xf32, #tpu.memory_space<vmem>>) target_semaphore(%run_scoped3A : memref<!tpu.dma_semaphore, #tpu.memory_space<semaphore_mem>>)
      %dma_wait3A = arith.constant 0 : i32
      %dma_wait3A_26 = tpu.memref_slice %arg2[%add3A, %dma_wait3A] : memref<32x4096xf32, #tpu.memory_space<hbm>> -> memref<1x4096xf32, #tpu.memory_space<hbm>>
      %dma_wait3A_27 = tpu.memref_squeeze %dma_wait3A_26 : memref<1x4096xf32, #tpu.memory_space<hbm>> -> memref<4096xf32, #tpu.memory_space<hbm>>
      %dma_wait3A_28 = arith.constant 0 : i32
      %dma_wait3A_29 = tpu.memref_slice %arg2[%add3A, %dma_wait3A_28] : memref<32x4096xf32, #tpu.memory_space<hbm>> -> memref<1x4096xf32, #tpu.memory_space<hbm>>
      %dma_wait3A_30 = tpu.memref_squeeze %dma_wait3A_29 : memref<1x4096xf32, #tpu.memory_space<hbm>> -> memref<4096xf32, #tpu.memory_space<hbm>>
      tpu.wait_dma2 semaphore(%run_scoped3A : memref<!tpu.dma_semaphore, #tpu.memory_space<semaphore_mem>>) src(%dma_wait3A_30 : memref<4096xf32, #tpu.memory_space<hbm>>) dst(%arg7 : memref<4096xf32, #tpu.memory_space<vmem>>)
      tpu.yield
    }) : () -> ()
    %scan3A = arith.constant 0 : i32
    %scan3A_1 = arith.constant 0 : i32
    %scan3A_2 = arith.constant 256 : i32
    %scan3A_3 = arith.addi %scan3A_1, %scan3A_2 : i32
    %scan3A_4 = arith.constant 1 : i32
    scf.for %scan3A_21 = %scan3A_1 to %scan3A_3 step %scan3A_4  : i32 {
      %mul3A_22 = arith.constant 16 : i32
      %mul3A_23 = arith.muli %scan3A_21, %mul3A_22 : i32
      %get3A = arith.index_cast %mul3A_23 : i32 to index
      %get3A_24 = tpu.vector_load %arg7[%get3A] {strides = array<i32>} : memref<4096xf32, #tpu.memory_space<vmem>>, vector<16xf32>,
      %convert_element_type3A_25 = arith.fptosi %get3A_24 : vector<16xf32> to vector<16xi32>
      %sub3A = arith.constant 1 : i32
      %sub3A_26 = vector.broadcast %sub3A : i32 to vector<16xi32>
      %sub3A_27 = arith.subi %convert_element_type3A_25, %sub3A_26 : vector<16xi32>
      %mul3A_28 = arith.constant 16 : i32
      %mul3A_29 = arith.muli %scan3A_21, %mul3A_28 : i32
      %add3A_30 = vector.broadcast %mul3A_29 : i32 to vector<16xi32>
      %add3A_31 = arith.addi %iota3A, %add3A_30 : vector<16xi32>
      tpu.vector_store_idx %arg8[%sub3A_27], %add3A_31 : memref<4096xi32, #tpu.memory_space<vmem>>[vector<16xi32>], vector<16xi32>,
    }
    %scan3A_5 = arith.constant 256 : i32
    %scan3A_6 = arith.constant 0 : i32
    %scan3A_7 = arith.constant 0 : i32
    %scan3A_8 = arith.constant 8 : i32
    %scan3A_9 = arith.addi %scan3A_7, %scan3A_8 : i32
    %scan3A_10 = arith.constant 1 : i32
    scf.for %scan3A_21 = %scan3A_7 to %scan3A_9 step %scan3A_10  : i32 {
      %mul3A_22 = arith.constant 128 : i32
      %mul3A_23 = arith.muli %add3A, %mul3A_22 : i32
      %mul3A_24 = arith.constant 16 : i32
      %mul3A_25 = arith.muli %scan3A_21, %mul3A_24 : i32
      %add3A_26 = arith.addi %mul3A_23, %mul3A_25 : i32
      "tpu.region"() ({
        %run_scoped3A = tpu.sem_alloc : memref<!tpu.dma_semaphore, #tpu.memory_space<semaphore_mem>>
        %dma_start3A = arith.constant 0 : i32
        %dma_start3A_49 = tpu.memref_slice %arg3[%add3A_26, %dma_start3A] : memref<4096x4096xi32, #tpu.memory_space<hbm>> -> memref<16x4096xi32, #tpu.memory_space<hbm>>
        %dma_start3A_50 = arith.constant 0 : i32
        %dma_start3A_51 = tpu.memref_slice %arg3[%add3A_26, %dma_start3A_50] : memref<4096x4096xi32, #tpu.memory_space<hbm>> -> memref<16x4096xi32, #tpu.memory_space<hbm>>
        tpu.enqueue_dma source(%dma_start3A_51 : memref<16x4096xi32, #tpu.memory_space<hbm>>) target(%arg9 : memref<16x4096xi32, #tpu.memory_space<vmem>>) target_semaphore(%run_scoped3A : memref<!tpu.dma_semaphore, #tpu.memory_space<semaphore_mem>>)
        %dma_wait3A = arith.constant 0 : i32
        %dma_wait3A_52 = tpu.memref_slice %arg3[%add3A_26, %dma_wait3A] : memref<4096x4096xi32, #tpu.memory_space<hbm>> -> memref<16x4096xi32, #tpu.memory_space<hbm>>
        %dma_wait3A_53 = arith.constant 0 : i32
        %dma_wait3A_54 = tpu.memref_slice %arg3[%add3A_26, %dma_wait3A_53] : memref<4096x4096xi32, #tpu.memory_space<hbm>> -> memref<16x4096xi32, #tpu.memory_space<hbm>>
        tpu.wait_dma2 semaphore(%run_scoped3A : memref<!tpu.dma_semaphore, #tpu.memory_space<semaphore_mem>>) src(%dma_wait3A_54 : memref<16x4096xi32, #tpu.memory_space<hbm>>) dst(%arg9 : memref<16x4096xi32, #tpu.memory_space<vmem>>)
        tpu.yield
      }) : () -> ()
      %broadcast_in_dim3A_27 = arith.constant 0.000000e+00 : f32
      %broadcast_in_dim3A_28 = vector.broadcast %broadcast_in_dim3A_27 : f32 to vector<16xf32>
      %broadcast_in_dim3A_29 = arith.constant 0 : i32
      %broadcast_in_dim3A_30 = vector.broadcast %broadcast_in_dim3A_29 : i32 to vector<16xi32>
      %while3A = arith.constant 0 : i32
      %while3A_31:3 = scf.while (%while3A_49 = %while3A, %while3A_50 = %broadcast_in_dim3A_28, %while3A_51 = %broadcast_in_dim3A_30) : (i32, vector<16xf32>, vector<16xi32>) -> (i32, vector<16xf32>, vector<16xi32>) {
        %lt3A = arith.constant 4096 : i32
        %lt3A_52 = arith.cmpi slt, %while3A_49, %lt3A : i32
        %reduce_min3A = arith.constant true
        %reduce_min3A_53 = vector.broadcast %reduce_min3A : i1 to vector<16xi1>
        %reduce_min3A_54 = tpu.scan <min>, %while3A_50 masked %reduce_min3A_53 : vector<16xf32>, vector<16xi1> -> vector<16xf32>
        %reduce_min3A_55 = vector.extract %reduce_min3A_54[15] : f32 from vector<16xf32>
        %eq3A_56 = arith.constant 0.000000e+00 : f32
        %eq3A_57 = arith.cmpf oeq, %reduce_min3A_55, %eq3A_56 : f32
        %and3A = arith.andi %lt3A_52, %eq3A_57 : i1
        scf.condition(%and3A) %while3A_49, %while3A_50, %while3A_51 : i32, vector<16xf32>, vector<16xi32>
      } do {
      ^bb0(%while3A_49: i32, %while3A_50: vector<16xf32>, %while3A_51: vector<16xi32>):
        %broadcast_in_dim3A_52 = vector.broadcast %while3A_49 : i32 to vector<16xi32>
        %gather3A = tpu.vector_load_idx %arg8[%broadcast_in_dim3A_52] : memref<4096xi32, #tpu.memory_space<vmem>>[vector<16xi32>], vector<16xi32>,
        %gather3A_53 = tpu.vector_load_idx %arg9[%iota3A, %gather3A] : memref<16x4096xi32, #tpu.memory_space<vmem>>[vector<16xi32>, vector<16xi32>], vector<16xi32>,
        %eq3A_54 = arith.constant 0.000000e+00 : f32
        %eq3A_55 = vector.broadcast %eq3A_54 : f32 to vector<16xf32>
        %eq3A_56 = arith.cmpf oeq, %while3A_50, %eq3A_55 : vector<16xf32>
        %eq3A_57 = arith.constant 0 : i32
        %eq3A_58 = vector.broadcast %eq3A_57 : i32 to vector<16xi32>
        %eq3A_59 = arith.cmpi eq, %gather3A_53, %eq3A_58 : vector<16xi32>
        %and3A = arith.andi %eq3A_56, %eq3A_59 : vector<16xi1>
        %add3A_60 = arith.constant 1 : i32
        %add3A_61 = arith.addi %while3A_49, %add3A_60 : i32
        %convert_element_type3A_62 = arith.sitofp %add3A_61 : i32 to f32
        %broadcast_in_dim3A_63 = vector.broadcast %convert_element_type3A_62 : f32 to vector<16xf32>
        %select_n3A_64 = arith.select %and3A, %broadcast_in_dim3A_63, %while3A_50 : vector<16xi1>, vector<16xf32>
        %add3A_65 = arith.constant 1 : i32
        %add3A_66 = vector.broadcast %add3A_65 : i32 to vector<16xi32>
        %add3A_67 = arith.addi %gather3A, %add3A_66 : vector<16xi32>
        %select_n3A_68 = arith.select %and3A, %add3A_67, %while3A_51 : vector<16xi1>, vector<16xi32>
        %add3A_69 = arith.constant 1 : i32
        %add3A_70 = arith.addi %while3A_49, %add3A_69 : i32
        scf.yield %add3A_70, %select_n3A_64, %select_n3A_68 : i32, vector<16xf32>, vector<16xi32>
      }
      %eq3A = arith.constant 0.000000e+00 : f32
      %eq3A_32 = vector.broadcast %eq3A : f32 to vector<16xf32>
      %eq3A_33 = arith.cmpf oeq, %while3A_31#1, %eq3A_32 : vector<16xf32>
      %jit3A = arith.constant 0x7F800000 : f32
      %broadcast_in_dim3A_34 = vector.broadcast %jit3A : f32 to vector<16xf32>
      %select_n3A = arith.select %eq3A_33, %broadcast_in_dim3A_34, %while3A_31#1 : vector<16xi1>, vector<16xf32>
      %eq3A_35 = arith.constant 0 : i32
      %eq3A_36 = vector.broadcast %eq3A_35 : i32 to vector<16xi32>
      %eq3A_37 = arith.cmpi eq, %while3A_31#2, %eq3A_36 : vector<16xi32>
      %jit3A_38 = arith.constant 1 : i32
      %broadcast_in_dim3A_39 = vector.broadcast %jit3A_38 : i32 to vector<16xi32>
      %select_n3A_40 = arith.select %eq3A_37, %broadcast_in_dim3A_39, %while3A_31#2 : vector<16xi1>, vector<16xi32>
      %mul3A_41 = arith.constant 16 : i32
      %mul3A_42 = arith.muli %scan3A_21, %mul3A_41 : i32
      %swap3A_43 = arith.index_cast %mul3A_42 : i32 to index
      %swap3A_44 = tpu.vector_load %arg11[%swap3A_43] {strides = array<i32>} : memref<128xf32, #tpu.memory_space<vmem>>, vector<16xf32>,
      tpu.vector_store %arg11[%swap3A_43], %select_n3A {strides = array<i32>} : memref<128xf32, #tpu.memory_space<vmem>>, vector<16xf32>,
      %mul3A_45 = arith.constant 16 : i32
      %mul3A_46 = arith.muli %scan3A_21, %mul3A_45 : i32
      %swap3A_47 = arith.index_cast %mul3A_46 : i32 to index
      %swap3A_48 = tpu.vector_load %arg10[%swap3A_47] {strides = array<i32>} : memref<128xi32, #tpu.memory_space<vmem>>, vector<16xi32>,
      tpu.vector_store %arg10[%swap3A_47], %select_n3A_40 {strides = array<i32>} : memref<128xi32, #tpu.memory_space<vmem>>, vector<16xi32>,
    }
    %scan3A_11 = arith.constant 8 : i32
    %scan3A_12 = arith.constant 0 : i32
    %scan3A_13 = arith.constant 0 : i32
    %scan3A_14 = arith.constant 8 : i32
    %scan3A_15 = arith.addi %scan3A_13, %scan3A_14 : i32
    %scan3A_16 = arith.constant 1 : i32
    %scan3A_17 = scf.for %scan3A_21 = %scan3A_13 to %scan3A_15 step %scan3A_16 iter_args(%scan3A_22 = %scan3A_12) -> (i32)  : i32 {
      %mul3A_23 = arith.constant 16 : i32
      %mul3A_24 = arith.muli %scan3A_21, %mul3A_23 : i32
      %get3A = arith.index_cast %mul3A_24 : i32 to index
      %get3A_25 = tpu.vector_load %arg11[%get3A] {strides = array<i32>} : memref<128xf32, #tpu.memory_space<vmem>>, vector<16xf32>,
      %lt3A = arith.constant 4.097000e+03 : f32
      %lt3A_26 = vector.broadcast %lt3A : f32 to vector<16xf32>
      %lt3A_27 = arith.cmpf olt, %get3A_25, %lt3A_26 : vector<16xf32>
      %convert_element_type3A_28 = arith.extui %lt3A_27 : vector<16xi1> to vector<16xi32>
      %reduce_sum3A = arith.constant true
      %reduce_sum3A_29 = vector.broadcast %reduce_sum3A : i1 to vector<16xi1>
      %reduce_sum3A_30 = tpu.scan <sum>, %convert_element_type3A_28 masked %reduce_sum3A_29 : vector<16xi32>, vector<16xi1> -> vector<16xi32>
      %reduce_sum3A_31 = vector.extract %reduce_sum3A_30[15] : i32 from vector<16xi32>
      %add3A_32 = arith.addi %scan3A_22, %reduce_sum3A_31 : i32
      scf.yield %add3A_32 : i32
    }
    %scan3A_18 = arith.constant 8 : i32
    %convert_element_type3A = arith.sitofp %scan3A_17 : i32 to f32
    %neg3A = arith.constant 0.000000e+00 : f32
    %neg3A_19 = arith.subf %neg3A, %convert_element_type3A : f32
    %broadcast_in_dim3A = vector.broadcast %neg3A_19 : f32 to vector<16xf32>
    %swap3A = arith.constant 0 : index
    %swap3A_20 = tpu.vector_load %arg12[%swap3A] {strides = array<i32>} : memref<16xf32, #tpu.memory_space<vmem>>, vector<16xf32>,
    tpu.vector_store %arg12[%swap3A], %broadcast_in_dim3A {strides = array<i32>} : memref<16xf32, #tpu.memory_space<vmem>>, vector<16xf32>,
    "tpu.region"() ({
      %run_scoped3A = tpu.sem_alloc : memref<!tpu.dma_semaphore, #tpu.memory_space<semaphore_mem>>
      %dma_start3A = arith.constant 0 : i32
      %dma_start3A_21 = tpu.memref_slice %arg4[%add3A, %dma_start3A] : memref<32x128xi32, #tpu.memory_space<hbm>> -> memref<1x128xi32, #tpu.memory_space<hbm>>
      %dma_start3A_22 = tpu.memref_squeeze %dma_start3A_21 : memref<1x128xi32, #tpu.memory_space<hbm>> -> memref<128xi32, #tpu.memory_space<hbm>>
      %dma_start3A_23 = arith.constant 0 : i32
      %dma_start3A_24 = tpu.memref_slice %arg4[%add3A, %dma_start3A_23] : memref<32x128xi32, #tpu.memory_space<hbm>> -> memref<1x128xi32, #tpu.memory_space<hbm>>
      %dma_start3A_25 = tpu.memref_squeeze %dma_start3A_24 : memref<1x128xi32, #tpu.memory_space<hbm>> -> memref<128xi32, #tpu.memory_space<hbm>>
      tpu.enqueue_dma source(%arg10 : memref<128xi32, #tpu.memory_space<vmem>>) target(%dma_start3A_25 : memref<128xi32, #tpu.memory_space<hbm>>) target_semaphore(%run_scoped3A : memref<!tpu.dma_semaphore, #tpu.memory_space<semaphore_mem>>)
      %dma_wait3A = arith.constant 0 : i32
      %dma_wait3A_26 = tpu.memref_slice %arg4[%add3A, %dma_wait3A] : memref<32x128xi32, #tpu.memory_space<hbm>> -> memref<1x128xi32, #tpu.memory_space<hbm>>
      %dma_wait3A_27 = tpu.memref_squeeze %dma_wait3A_26 : memref<1x128xi32, #tpu.memory_space<hbm>> -> memref<128xi32, #tpu.memory_space<hbm>>
      %dma_wait3A_28 = arith.constant 0 : i32
      %dma_wait3A_29 = tpu.memref_slice %arg4[%add3A, %dma_wait3A_28] : memref<32x128xi32, #tpu.memory_space<hbm>> -> memref<1x128xi32, #tpu.memory_space<hbm>>
      %dma_wait3A_30 = tpu.memref_squeeze %dma_wait3A_29 : memref<1x128xi32, #tpu.memory_space<hbm>> -> memref<128xi32, #tpu.memory_space<hbm>>
      tpu.wait_dma2 semaphore(%run_scoped3A : memref<!tpu.dma_semaphore, #tpu.memory_space<semaphore_mem>>) src(%arg10 : memref<128xi32, #tpu.memory_space<vmem>>) dst(%dma_wait3A_30 : memref<128xi32, #tpu.memory_space<hbm>>)
      tpu.yield
    }) : () -> ()
    "tpu.region"() ({
      %run_scoped3A = tpu.sem_alloc : memref<!tpu.dma_semaphore, #tpu.memory_space<semaphore_mem>>
      %dma_start3A = arith.constant 0 : i32
      %dma_start3A_21 = tpu.memref_slice %arg5[%add3A, %dma_start3A] : memref<32x128xf32, #tpu.memory_space<hbm>> -> memref<1x128xf32, #tpu.memory_space<hbm>>
      %dma_start3A_22 = tpu.memref_squeeze %dma_start3A_21 : memref<1x128xf32, #tpu.memory_space<hbm>> -> memref<128xf32, #tpu.memory_space<hbm>>
      %dma_start3A_23 = arith.constant 0 : i32
      %dma_start3A_24 = tpu.memref_slice %arg5[%add3A, %dma_start3A_23] : memref<32x128xf32, #tpu.memory_space<hbm>> -> memref<1x128xf32, #tpu.memory_space<hbm>>
      %dma_start3A_25 = tpu.memref_squeeze %dma_start3A_24 : memref<1x128xf32, #tpu.memory_space<hbm>> -> memref<128xf32, #tpu.memory_space<hbm>>
      tpu.enqueue_dma source(%arg11 : memref<128xf32, #tpu.memory_space<vmem>>) target(%dma_start3A_25 : memref<128xf32, #tpu.memory_space<hbm>>) target_semaphore(%run_scoped3A : memref<!tpu.dma_semaphore, #tpu.memory_space<semaphore_mem>>)
      %dma_wait3A = arith.constant 0 : i32
      %dma_wait3A_26 = tpu.memref_slice %arg5[%add3A, %dma_wait3A] : memref<32x128xf32, #tpu.memory_space<hbm>> -> memref<1x128xf32, #tpu.memory_space<hbm>>
      %dma_wait3A_27 = tpu.memref_squeeze %dma_wait3A_26 : memref<1x128xf32, #tpu.memory_space<hbm>> -> memref<128xf32, #tpu.memory_space<hbm>>
      %dma_wait3A_28 = arith.constant 0 : i32
      %dma_wait3A_29 = tpu.memref_slice %arg5[%add3A, %dma_wait3A_28] : memref<32x128xf32, #tpu.memory_space<hbm>> -> memref<1x128xf32, #tpu.memory_space<hbm>>
      %dma_wait3A_30 = tpu.memref_squeeze %dma_wait3A_29 : memref<1x128xf32, #tpu.memory_space<hbm>> -> memref<128xf32, #tpu.memory_space<hbm>>
      tpu.wait_dma2 semaphore(%run_scoped3A : memref<!tpu.dma_semaphore, #tpu.memory_space<semaphore_mem>>) src(%arg11 : memref<128xf32, #tpu.memory_space<vmem>>) dst(%dma_wait3A_30 : memref<128xf32, #tpu.memory_space<hbm>>)
      tpu.yield
    }) : () -> ()
    "tpu.region"() ({
      %run_scoped3A = tpu.sem_alloc : memref<!tpu.dma_semaphore, #tpu.memory_space<semaphore_mem>>
      %dma_start3A = arith.constant 0 : i32
      %dma_start3A_21 = tpu.memref_slice %arg6[%add3A, %dma_start3A] : memref<32x16xf32, #tpu.memory_space<hbm>> -> memref<1x16xf32, #tpu.memory_space<hbm>>
      %dma_start3A_22 = tpu.memref_squeeze %dma_start3A_21 : memref<1x16xf32, #tpu.memory_space<hbm>> -> memref<16xf32, #tpu.memory_space<hbm>>
      %dma_start3A_23 = arith.constant 0 : i32
      %dma_start3A_24 = tpu.memref_slice %arg6[%add3A, %dma_start3A_23] : memref<32x16xf32, #tpu.memory_space<hbm>> -> memref<1x16xf32, #tpu.memory_space<hbm>>
      %dma_start3A_25 = tpu.memref_squeeze %dma_start3A_24 : memref<1x16xf32, #tpu.memory_space<hbm>> -> memref<16xf32, #tpu.memory_space<hbm>>
      tpu.enqueue_dma source(%arg12 : memref<16xf32, #tpu.memory_space<vmem>>) target(%dma_start3A_25 : memref<16xf32, #tpu.memory_space<hbm>>) target_semaphore(%run_scoped3A : memref<!tpu.dma_semaphore, #tpu.memory_space<semaphore_mem>>)
      %dma_wait3A = arith.constant 0 : i32
      %dma_wait3A_26 = tpu.memref_slice %arg6[%add3A, %dma_wait3A] : memref<32x16xf32, #tpu.memory_space<hbm>> -> memref<1x16xf32, #tpu.memory_space<hbm>>
      %dma_wait3A_27 = tpu.memref_squeeze %dma_wait3A_26 : memref<1x16xf32, #tpu.memory_space<hbm>> -> memref<16xf32, #tpu.memory_space<hbm>>
      %dma_wait3A_28 = arith.constant 0 : i32
      %dma_wait3A_29 = tpu.memref_slice %arg6[%add3A, %dma_wait3A_28] : memref<32x16xf32, #tpu.memory_space<hbm>> -> memref<1x16xf32, #tpu.memory_space<hbm>>
      %dma_wait3A_30 = tpu.memref_squeeze %dma_wait3A_29 : memref<1x16xf32, #tpu.memory_space<hbm>> -> memref<16xf32, #tpu.memory_space<hbm>>
      tpu.wait_dma2 semaphore(%run_scoped3A : memref<!tpu.dma_semaphore, #tpu.memory_space<semaphore_mem>>) src(%arg12 : memref<16xf32, #tpu.memory_space<vmem>>) dst(%dma_wait3A_30 : memref<16xf32, #tpu.memory_space<hbm>>)
      tpu.yield
    }) : () -> ()
    return
  }
}

</mosaic_0001>

<sc_bundles>
// kernel: kernel.3.cloned.1.call-start
scs
__scs_entry_jumppad:
0x0: {  	(pc) =	sbr.rel $0x88, $3  }
0x1: {  	(tag) =	ssettag $0x0;
	lr =	simm.s32 $0x1  }
0x2: {  	[smem:$0x3F9F] =	sst lr;
	_ =	strace $0xD0000000  }
0x3: {  	_ = 	snop  }
0x4: {  	_ = 	snop  }
0x5: {  	_ = 	snop  }
0x6: {  	_ = 	snop  }
0x7: {  	_ = 	snop  }
__scs_overlays_trampoline_lowered:
0x8: {  	[smem:$0x3FAE] =	sst s0  }
0x9: {  	[smem:$0x3FAF] =	sst s1  }
0xa: {  	[smem:$0x3FB0] =	sst s2  }
0xb: {  	[smem:$0x3FB1] =	sst s3  }
0xc: {  	[smem:$0x3FB2] =	sst s4  }
0xd: {  	[smem:$0x3FB3] =	sst s5  }
0xe: {  	[smem:$0x3FB4] =	sst s6  }
0xf: {  	[smem:$0x3FB5] =	sst s7  }
0x10: {  	[smem:$0x3FB6] =	sst s8  }
0x11: {  	[smem:$0x3FB7] =	sst s9;
	s0 =	simm.s32 @!p0 $0x0  }
0x12: {  	s1 =	sld [smem:$0x3F9D];
	s0 =	simm.s32 @p0 $0x1  }
0x13: {  	[smem:$0x3FB8] =	sst s0;
	s0 =	simm.s32 @!p1 $0x0  }
0x14: {  	s2 =	sld [smem:$0x3F9C];
	s0 =	simm.s32 @p1 $0x1  }
0x15: {  	[smem:$0x3FB9] =	sst s0;
	s0 =	simm.s32 @!p2 $0x0  }
0x16: {  	s3 =	sld [smem:$0x3FDB];
	s0 =	simm.s32 @p2 $0x1  }
0x17: {  	s4 =	simm.s32 $0x1BF5;
	[smem:$0x3FBB] =	sst s0  }
0x18: {  	s0 =	sld [smem:$0x3F9E];
	_ =	swait.ge [sflag:s4], $0x0  }
0x19: {  	s7 =	sld [smem:$0x3F9F]  }
0x1a: {  	s8 =	sadd.s32 $0xFFFFE003, lr  }
0x1b: {  	s9 =	sadd.s32 $0xFFFFFEF7, lr;
	s5 =	simm.s32 $0xFFFFFFFF;
	p2 =	slt.u32 s8, $0xFFFFF086  }
0x1c: {  	p1 =	slt.u32 s9, $0xF7A;
	s5 =	simm.s32 @!p2 $0x0  }
0x1d: {  	s5 =	simm.s32 @p1 $0x1;
	p0 =	seq.s32 s7, s2  }
0x1e: {  	s7 =	smul.u32 @!p0 $0xF7A, s2;
	p2 =	seq.s32 @!p0 s5, $0x0  }
0x1f: {  	s9 =	smul.u32 $0xF7A, s1;
	s8 =	simm.s32 @!p0 $0x1BF5;
	p2 =	por !p2, p0  }
0x20: {  	[sflag:s8] =	ssyncset.s32 @!p0 $0xFFFFF086;
	s6 =	sadd.s32 @!p0 s3, s7;
	s7 =	simm.s32 @!p0 $0x108  }
0x21: {  	s3 =	sadd.s32 s3, s9;
	s6 =	sadd.s32 @!p0 $0x88, s6;
	s7 =	simm.s32 @p2 $0x1082  }
0x22: {  	[simem:s7], [sflag:s8] =	dma.local @!p0 [hbm:s6], $0xF7A  }
0x23: {  	s9 =	sor.u32 $0xD0000000, s2;
	s6 =	simm.s32 $0x108;
	_ =	swait.ge @!p0 [sflag:s8], $0x0  }
0x24: {  	s3 =	sadd.s32 $0x88, s3;
	s6 =	simm.s32 @!p1 $0x1082;
	[sflag:s4] =	ssyncset.s32 $0xFFFFF086  }
0x25: {  	[simem:s6], [sflag:s4] =	dma.local [hbm:s3], $0xF7A  }
0x26: {  	[smem:$0x3F9F] =	sst s1;
	(tag) =	ssettag s2;
	_ =	strace s9  }
0x27: {  	s1 =	sld [smem:$0x3FAF]  }
0x28: {  	s2 =	sld [smem:$0x3FB0]  }
0x29: {  	s4 =	sld [smem:$0x3FB2]  }
0x2a: {  	p0 =	seq.s32 s5, $0x0;
	s5 =	sld [smem:$0x3FB3]  }
0x2b: {  	s6 =	sld [smem:$0x3FB4]  }
0x2c: {  	s7 =	sld [smem:$0x3FB5]  }
0x2d: {  	s3 =	simm.s32 $0x108;
	s8 =	sld [smem:$0x3FB6]  }
0x2e: {  	s3 =	simm.s32 @!p0 $0x1082;
	s9 =	sld [smem:$0x3FB7]  }
0x2f: {  	lr =	sadd.s32 s0, s3;
	s0 =	sld [smem:$0x3FAE]  }
0x30: {  	s3 =	sld [smem:$0x3FB1]  }
0x31: {  	[smem:$0x3FBA] =	sst s10  }
0x32: {  	s10 =	sld [smem:$0x3FB8];
	_ =	sdelay $0x3  }
0x33: {  	p0 =	seq.s32 s10, $0x1;
	s10 =	sld [smem:$0x3FBA];
	_ =	sdelay $0x3  }
0x34: {  	[smem:$0x3FBA] =	sst s10  }
0x35: {  	s10 =	sld [smem:$0x3FB9];
	_ =	sdelay $0x3  }
0x36: {  	p1 =	seq.s32 s10, $0x1;
	s10 =	sld [smem:$0x3FBA];
	_ =	sdelay $0x3  }
0x37: {  	[smem:$0x3FBA] =	sst s10  }
0x38: {  	s10 =	sld [smem:$0x3FBB]  }
0x39: {  	_ = 	snop;
	(pc) =	sbr.ind lr, $3  }
0x3a: {  	_ = 	snop  }
0x3b: {  	_ = 	snop  }
0x3c: {  	p2 =	seq.s32 s10, $0x1;
	s10 =	sld [smem:$0x3FBA]  }
0x3d: {  	_ =	shalt  }
0x3e: {  	_ =	shalt  }
0x3f: {  	_ =	shalt  }
0x40: {  	_ =	shalt  }
0x41: {  	_ =	shalt  }
0x42: {  	_ =	shalt  }
0x43: {  	_ =	shalt  }
0x44: {  	_ =	shalt  }
0x45: {  	_ =	shalt  }
0x46: {  	_ =	shalt  }
0x47: {  	_ =	shalt  }
0x48: {  	_ =	shalt  }
0x49: {  	_ =	shalt  }
0x4a: {  	_ =	shalt  }
0x4b: {  	_ =	shalt  }
0x4c: {  	_ =	shalt  }
0x4d: {  	_ =	shalt  }
0x4e: {  	_ =	shalt  }
0x4f: {  	_ =	shalt  }
0x50: {  	_ =	shalt  }
0x51: {  	_ =	shalt  }
0x52: {  	_ =	shalt  }
0x53: {  	_ =	shalt  }
0x54: {  	_ =	shalt  }
0x55: {  	_ =	shalt  }
0x56: {  	_ =	shalt  }
0x57: {  	_ =	shalt  }
0x58: {  	_ =	shalt  }
0x59: {  	_ =	shalt  }
0x5a: {  	_ =	shalt  }
0x5b: {  	_ =	shalt  }
0x5c: {  	_ =	shalt  }
0x5d: {  	_ =	shalt  }
0x5e: {  	_ =	shalt  }
0x5f: {  	_ =	shalt  }
0x60: {  	_ =	shalt  }
0x61: {  	_ =	shalt  }
0x62: {  	_ =	shalt  }
0x63: {  	_ =	shalt  }
0x64: {  	_ =	shalt  }
0x65: {  	_ =	shalt  }
0x66: {  	_ =	shalt  }
0x67: {  	_ =	shalt  }
0x68: {  	_ =	shalt  }
0x69: {  	_ =	shalt  }
0x6a: {  	_ =	shalt  }
0x6b: {  	_ =	shalt  }
0x6c: {  	_ =	shalt  }
0x6d: {  	_ =	shalt  }
0x6e: {  	_ =	shalt  }
0x6f: {  	_ =	shalt  }
0x70: {  	_ =	shalt  }
0x71: {  	_ =	shalt  }
0x72: {  	_ =	shalt  }
0x73: {  	_ =	shalt  }
0x74: {  	_ =	shalt  }
0x75: {  	_ =	shalt  }
0x76: {  	_ =	shalt  }
0x77: {  	_ =	shalt  }
0x78: {  	_ =	shalt  }
0x79: {  	_ =	shalt  }
0x7a: {  	_ =	shalt  }
0x7b: {  	_ =	shalt  }
0x7c: {  	_ =	shalt  }
0x7d: {  	_ =	shalt  }
0x7e: {  	_ =	shalt  }
0x7f: {  	_ =	shalt  }
0x80: {  	_ =	shalt  }
0x81: {  	_ =	shalt  }
0x82: {  	_ =	shalt  }
0x83: {  	_ =	shalt  }
0x84: {  	_ =	shalt  }
0x85: {  	_ =	shalt  }
0x86: {  	_ =	shalt  }
0x87: {  	_ =	shalt  }
.Lfunc_end0:
.L_simem_size_0:
called_computation_lowered:
.L_overlay_start_0:
0x88: {  	s2 =	sld [smem:$0x3FD9]  }
0x89: {  	s3 =	sld [smem:$0x3FFE];
	_ =	sdelay $0x1  }
0x8a: {  	s1 =	srdreg.scid  }
0x8b: {  	s0 =	sand.u32 $0x1, s1  }
0x8c: {  	s14 =	sshll.u32 s0, $0xA;
	s2 =	sadd.s32 s3, s2  }
0x8d: {  	s2 =	sadd.s32 s2, s14  }
0x8e: {  	[smem:$0x3FC6] =	sst s2  }
0x8f: {  	_ = 	snop  }
0x90: {  	s2 =	sld [smem:$0x3FD0];
	_ =	sdelay $0x2  }
0x91: {  	s4 =	simm.s32 $0xA;
	s5 =	simm.s32 $0x10;
	s15 =	sld [smem:$0x3FC9]  }
0x92: {  	[smem:s5], [sflag:s4] =	dma.local [hbm:s2], $0x1  }
0x93: {  	_ =	swait.eq [sflag:s4], $0x1  }
0x94: {  	[sflag:s4] =	ssyncset.done $0x0  }
0x95: {  	s16 =	sld [smem:$0x11];
	[sflag:s4] =	ssyncadd.s32 $0xFFFFFFFF  }
0x96: {  	s17 =	sld [smem:$0x12];
	(tm) =	ssettm $0x1  }
0x97: {  	s18 =	sld [smem:$0x3FFB];
	_ =	sdelay $0x3  }
0x98: {  	_ =	strace s18  }
0x99: {  	s5 =	sld [smem:$0x3FFC];
	_ =	sdelay $0x3  }
0x9a: {  	_ =	strace s5  }
0x9b: {  	s5 =	sld [smem:$0x3FFD];
	_ =	sdelay $0x3  }
0x9c: {  	_ =	strace s5  }
0x9d: {  	_ =	strace $0x8FFFFFFF  }
0x9e: {  	s19 =	sld [smem:$0x3FDB];
	_ =	sdelay $0x1  }
0x9f: {  	s6 =	simm.s32 $_scs_section_size  }
0xa0: {  	s7 =	simm.s32 $_size__tile_overlayer_lowered;
	s8 =	simm.s32 $_tile_overlayer_lowered  }
0xa1: {  	s22 =	simm.s32 $0x1BFF;
	s21 =	sshll.u32 s8, $0x1;
	s5 =	sadd.s32 s6, s19  }
0xa2: {  	s9 =	simm.s32 $0x0;
	s20 =	sshll.u32 s7, $0x1;
	s7 =	sadd.s32 s21, s5  }
0xa3: {  	[timem:s9], [sflag:s22] =	dma.local [hbm:s7], s20  }
0xa4: {  	_ =	swait.ge [sflag:s22], s20  }
0xa5: {  	s6 =	ssub.s32 $0x0, s20;
	[sflag:s22] =	ssyncset.done $0x0  }
0xa6: {  	[sflag:s22] =	ssyncadd.s32 s6;
	_ =	sdelay $0x1  }
0xa7: {  	s23 =	simm.s32 $0x1B8B  }
0xa8: {  	_ =	swait.ge [sflag:s23], $0x1  }
0xa9: {  	[sflag:s23] =	ssyncset.done $0x0  }
0xaa: {  	s25 =	simm.s32 $0x1B8E;
	s24 =	sld [smem:$0x3FFE];
	[sflag:s23] =	ssyncadd.s32 $0xFFFFFFFF  }
0xab: {  	s26 =	simm.s32 $execute0_lowered;
	[smem:$0x3FD2] =	sst s25  }
0xac: {  	s7 =	sshll.u32 s26, $0x1;
	_ =	strace $0x80000046;
	[dreg:$0x1] =	wrdreg $0xFFFFFFFF  }
0xad: {  	s28 =	simm.s32 $_size_execute0_lowered;
	s5 =	sadd.s32 s5, s7;
	[dreg:$0x0] =	wrdreg $0x0  }
0xae: {  	s7 =	sshll.u32 s28, $0x1;
	[dreg:$0x2] =	wrdreg s5  }
0xaf: {  	[dreg:$0x3] =	wrdreg s7  }
0xb0: {  	[dreg:$0x4] =	wrdreg $0xC0  }
0xb1: {  	_ =	task [dreg:s9], $0x5FFFF  }
0xb2: {  	[dreg:$0x1] =	wrdreg $0xFFFFFFFF  }
0xb3: {  	[dreg:$0x0] =	wrdreg $0x60  }
0xb4: {  	[dreg:$0x2] =	wrdreg s15  }
0xb5: {  	[dreg:$0x3] =	wrdreg s24  }
0xb6: {  	[dreg:$0x4] =	wrdreg s16  }
0xb7: {  	[dreg:$0x5] =	wrdreg s17  }
0xb8: {  	[dreg:$0x6] =	wrdreg $0x9  }
0xb9: {  	_ =	task.clear_ibuf [dreg:s9], $0x7FFFF;
	_ =	strace $0x90000046  }
0xba: {  	s29 =	simm.s32 $0x9;
	_ =	strace $0x80000048  }
0xbb: {  	_ =	swait.ge [sflag:s29], $0x1  }
0xbc: {  	[sflag:s29] =	ssyncadd.s32 $0xFFFFFFFF  }
0xbd: {  	_ =	strace $0x90000048  }
0xbe: {  	_ =	sfence  }
0xbf: {  	s30 =	sld [smem:$0x0];
	_ =	sdelay $0x2  }
0xc0: {  	s31 =	sshll.u32 s1, $0xD;
	s1 =	sshrl.u32 s1, $0x2  }
0xc1: {  	s3 =	sand.u32 $0x4000, s31;
	s1 =	sadd.s32 s1, s30  }
0xc2: {  	s0 =	sor.u32 s3, s0;
	s1 =	sshll.u32 s1, $0x11  }
0xc3: {  	s0 =	sor.u32 s1, s0  }
0xc4: {  	s0 =	sadd.s32 $0x8F2B, s0  }
0xc5: {  	[sflag:s0] =	ssyncadd.remote.s32 $0x1  }
0xc6: {  	_ =	sfence.sel $0xFFFF  }
0xc7: {  	[dreg:$0x0] =	wrdreg $0xFFFFFFFF;
	(pc) =	sbr.abs _section_cstart, $3  }
0xc8: {  	[dreg:$0x1] =	wrdreg $0xFFFFFFFF  }
0xc9: {  	_ =	task.clear_ibuf [dreg:s9], $0x2FFFF;
	_ =	strace $0x9FFFFFFF  }
0xca: {  	(tm) =	ssettm $0x7FFFFFFF  }
0xcb: {  	_ =	shalt  }
tec
execute0_lowered:
.L_overlay_start_1:
0x0: {  	(tag) =	ssettag $0x1  }
0x1: {  	s3 =	rddreg [dreg:$0x0]  }
0x2: {  	s4 =	rddreg [dreg:$0x1]  }
0x3: {  	s5 =	rddreg [dreg:$0x2]  }
0x4: {  	s6 =	rddreg [dreg:$0x3];
	s1 =	simm.s32 $0x0  }
0x5: {  	[smem:$0x7FF] =	sst s1  }
0x6: {  	s0 =	rddreg [dreg:$0x4];
	v0 =	vimm.f32 $0.0e+00;
	_ =	strace $0x80000047  }
0x7: {  	(xrf0) =	vmin.scan.msk.f32 $0xffff, v0;
	_ =	sdelay $0x5  }
0x8: {  	v0, _, _ =	vpop (xrf0)  }
0x9: {  	(v2sf) =	vpush v0, $0xF  }
0xa: {  	vm0 =	vcmask $0x300;
	v0 =	vimm.s32 $0x8380  }
0xb: {  	vm14 =	vcmask $0x704;
	v0 =	vsel vm0, $0x0, v0  }
0xc: {  	vm15 =	vcmask $0xB08;
	v0 =	vsel vm14, $0x80, v0  }
0xd: {  	s7 =	srdreg.scid;
	s2 =	stileid.u32;
	vm4 =	vcmask $0xF0C;
	v0 =	vsel vm15, $0x100, v0  }
0xe: {  	vm5 =	vcmask $0x1310;
	s14 =	simm.s32 $0x12000;
	s15 =	simm.s32 $0x12080;
	s16 =	simm.s32 $0x12100;
	v0 =	vsel vm4, $0x180, v0  }
0xf: {  	vm6 =	vcmask $0x1714;
	s7 =	sand.u32 $0x1, s7;
	s8 =	sshll.u32 s2, $0x1;
	s9 =	sshrl.u32 s2, $0x2;
	v0 =	vsel vm5, $0x200, v0  }
0x10: {  	vm7 =	vcmask $0x1B18;
	s17 =	simm.s32 $0x0;
	s8 =	sor.u32 s7, s8;
	s11 =	sshll.u32 s9, $0xA;
	v0 =	vsel vm6, $0x280, v0  }
0x11: {  	vm8 =	vcmask $0x1F1C;
	s9 =	sshll.u32 s9, $0xF;
	s7 =	ssub.s32 $0x2, s7;
	s10 =	sshll.u32 s8, $0x7;
	v0 =	vsel vm7, $0x300, v0  }
0x12: {  	vm9 =	vcmask $0x2320;
	s8 =	sshll.u32 s8, $0x10;
	s31 =	sshrl.u32 s7, $0x1;
	s10 =	sand.u32 $0x380, s10;
	v0 =	vsel vm8, $0x380, v0  }
0x13: {  	vm10 =	vcmask $0x2724;
	s8 =	sadd.s32 s8, s4;
	s12 =	ssub.s32 s7, s31;
	s11 =	sor.u32 s11, s10;
	v0 =	vsel vm9, $0x8000, v0  }
0x14: {  	vm11 =	vcmask $0x2B28;
	s9 =	sor.u32 s9, s10;
	s10 =	simm.s32 $0x400;
	s11 =	sshrl.u32 s11, $0x3;
	v0 =	vsel vm10, $0x8080, v0  }
.Ltmp0:
0x15: {  	vm12 =	vcmask $0x2F2C;
	s9 =	sshrl.u32 s9, $0x3;
	s30 =	sadd.s32 s11, s4;
	v0 =	vsel vm11, $0x8100, v0;
	(pc) =	sbr.rel .LBB2_1-.Ltmp0, $4  }
0x16: {  	vm13 =	vcmask $0x3330;
	s3 =	sadd.s32 s3, s9;
	s4 =	sadd.s32 $0x400, s8;
	s5 =	sadd.s32 s5, s11;
	v0 =	vsel vm12, $0x8180, v0  }
0x17: {  	s6 =	sadd.s32 s6, s11;
	s8 =	smax.u32 s12, $0x1;
	s9 =	simm.s32 $0x80;
	vm14 =	vcmask $0x3734;
	v0 =	vsel vm13, $0x8200, v0  }
0x18: {  	s11 =	simm.s32 $0x1;
	s12 =	simm.s32 $0x1000;
	vm15 =	vcmask $0x3B38;
	v1 =	vsel vm14, $0x8280, v0;
	s13 =	spop (v2sf)  }
0x19: {  	v2 =	vimm.s32 $0x0;
	s7 =	sadd.s32 $0x200400, s30;
	v0 =	vlaneseq.u32;
	v1 =	vsel vm15, $0x8300, v1;
	p0 =	sne.f32 s13, $0.0e+00;
	s13 =	simm.s32 $0x2000  }
.LBB2_9:
0x1a: {  	v3 =	vld [tilespmem:$0x12080]  }
0x1b: {  	v4 =	vld [tilespmem:$0x12090]  }
0x1c: {  	v5 =	vld [tilespmem:$0x120A0]  }
0x1d: {  	v6 =	vld [tilespmem:$0x120B0]  }
0x1e: {  	v7 =	vld [tilespmem:$0x120C0]  }
0x1f: {  	vm0 =	vlt.f32 v3, $4.097000000e+03;
	v3 =	vld [tilespmem:$0x120D0]  }
0x20: {  	v55 =	vld [tilespmem:$0x120E0];
	vm9 =	vlt.f32 v4, $4.097000000e+03;
	v8 =	vsel vm0, $0x1, v2  }
0x21: {  	v57 =	vld [tilespmem:$0x120F0];
	vm10 =	vlt.f32 v5, $4.097000000e+03;
	v56 =	vsel vm9, $0x1, v2;
	(xrf0) =	vadd.scan.msk.s32 $0xffff, v8  }
0x22: {  	vm11 =	vlt.f32 v6, $4.097000000e+03;
	v58 =	vsel vm10, $0x1, v2;
	(xrf0) =	vadd.scan.msk.s32 $0xffff, v56  }
0x23: {  	vm12 =	vlt.f32 v7, $4.097000000e+03;
	v6 =	vsel vm11, $0x1, v2;
	(xrf0) =	vadd.scan.msk.s32 $0xffff, v58  }
0x24: {  	v59 =	vsel vm12, $0x1, v2;
	(xrf0) =	vadd.scan.msk.s32 $0xffff, v6;
	vm13 =	vlt.f32 v3, $4.097000000e+03  }
0x25: {  	vm14 =	vlt.f32 v55, $4.097000000e+03;
	(xrf0) =	vadd.scan.msk.s32 $0xffff, v59;
	v3 =	vsel vm13, $0x1, v2  }
0x26: {  	vm15 =	vlt.f32 v57, $4.097000000e+03;
	(xrf0) =	vadd.scan.msk.s32 $0xffff, v3;
	v3 =	vsel vm14, $0x1, v2  }
0x27: {  	v60, _, _ =	vpop (xrf0);
	(xrf0) =	vadd.scan.msk.s32 $0xffff, v3;
	v3 =	vsel vm15, $0x1, v2;
	_ =	sdelay $0x1  }
0x28: {  	(v2sf) =	vpush v60, $0xF;
	v61, _, _ =	vpop (xrf0);
	(xrf0) =	vadd.scan.msk.s32 $0xffff, v3  }
0x29: {  	(v2sf) =	vpush v61, $0xF;
	v3, _, _ =	vpop (xrf0)  }
0x2a: {  	v62, _, _ =	vpop (xrf0);
	(v2sf) =	vpush v3, $0xF  }
0x2b: {  	v3, _, _ =	vpop (xrf0);
	(v2sf) =	vpush v62, $0xF  }
0x2c: {  	v63, _, _ =	vpop (xrf0);
	(v2sf) =	vpush v3, $0xF  }
0x2d: {  	v3, _, _ =	vpop (xrf0);
	(v2sf) =	vpush v63, $0xF  }
0x2e: {  	(v2sf) =	vpush v3, $0xF;
	v3, _, _ =	vpop (xrf0)  }
0x2f: {  	(v2sf) =	vpush v3, $0xF;
	_ =	sdelay $0x7  }
0x30: {  	s18 =	spop (v2sf)  }
0x31: {  	s19 =	spop (v2sf)  }
0x32: {  	s18 =	sadd.s32 s18, s19;
	s25 =	spop (v2sf)  }
0x33: {  	s18 =	sadd.s32 s18, s25;
	s26 =	spop (v2sf)  }
0x34: {  	s18 =	sadd.s32 s18, s26;
	s28 =	spop (v2sf)  }
0x35: {  	s18 =	sadd.s32 s18, s28;
	s29 =	spop (v2sf)  }
0x36: {  	s18 =	sadd.s32 s18, s29;
	s30 =	spop (v2sf)  }
0x37: {  	s18 =	sadd.s32 s18, s30;
	s31 =	spop (v2sf)  }
0x38: {  	s18 =	sadd.s32 s18, s31  }
0x39: {  	s18 =	scvt.s32.f32 s18;
	_ =	sdelay $0x1  }
0x3a: {  	s18 =	ssub.f32 $0.0e+00, s18;
	_ =	sdelay $0x1  }
0x3b: {  	v3 =	vmov s18  }
0x3c: {  	[tilespmem:$0x12100] =	vst v3  }
0x3d: {  	[hbm4b:s5+s1] =	stream.linear.scatter [tilespmem:s14], [sflag:$0x1], $0x80, $0x38;
	[tilespmem:$0x12180] =	vst v63  }
0x3e: {  	_ =	swait.ge [sflag:s11], $0x80  }
0x3f: {  	[sflag:s11] =	ssyncset.done $0x0  }
0x40: {  	[sflag:s11] =	ssyncadd.s32 $0xFFFFFF80  }
0x41: {  	[hbm4b:s6+s1] =	stream.linear.scatter [tilespmem:s15], [sflag:$0x1], $0x80, $0x38;
	[tilespmem:$0x12180] =	vst v63  }
0x42: {  	s17 =	sadd.s32 $0x1, s17;
	_ =	swait.ge [sflag:s11], $0x80  }
0x43: {  	p1 =	sne.s32 s17, s8;
	[sflag:s11] =	ssyncset.done $0x0  }
.Ltmp1:
0x44: {  	[sflag:s11] =	ssyncadd.s32 $0xFFFFFF80;
	(pc) =	sbr.rel @!p1 .LBB2_10-.Ltmp1, $4  }
0x45: {  	[hbm4b:s7+s1] =	stream.linear.scatter [tilespmem:s16], [sflag:$0x1], $0x80, $0x38;
	[tilespmem:$0x12180] =	vst v63  }
0x46: {  	_ =	swait.ge [sflag:s11], $0x80  }
0x47: {  	[sflag:s11] =	ssyncset.done $0x0  }
0x48: {  	[sflag:s11] =	ssyncadd.s32 $0xFFFFFF80  }
.LBB2_1:
0x49: {  	[tilespmem:s1], [sflag:$0x1] =	stream.strided.gather [hbm4b:s3+s9], $0x1000, s10, s9, $0x38;
	[tilespmem:$0x12180] =	vst v63  }
0x4a: {  	_ =	swait.ge [sflag:s11], $0x1000  }
0x4b: {  	[sflag:s11] =	ssyncset.done $0x0  }
0x4c: {  	[sflag:s11] =	ssyncadd.s32 $0xFFFFF000  }
0x4d: {  	s19 =	simm.s32 $0x10;
	s18 =	simm.s32 $0x0;
	s20 =	simm.s32 $0x0;
	v3 =	vld [tilespmem:s1+$0x0]  }
.LBB2_2:
0x4e: {  	p1 =	sne.s32 s19, $0xFF0;
	_ =	sdelay $0x3  }
0x4f: {  	v3 =	vtrunc.f32 v3  }
0x50: {  	v3 =	vcvt.f32.s32 v3;
	_ =	sdelay $0x1  }
0x51: {  	v3 =	vadd.s32 $0xFFFFFFFF, v3;
	_ =	sdelay $0x1  }
.Ltmp2:
0x52: {  	(pc) =	sbr.rel @p1 .LBB2_2-.Ltmp2, $4  }
0x53: {  	_ = 	snop  }
0x54: {  	v4 =	vor.u32 s18, v0;
	s18 =	smov.u32 s19  }
0x55: {  	s20 =	sadd.s32 $0x10, s20;
	[tilespmem:v3+s12+$0x0] =	vst.idx.msk $0xffff, v4  }
0x56: {  	s19 =	sadd.s32 $0x10, s19;
	v3 =	vld [tilespmem:s20+$0x0]  }
0x57: {  	_ =	sdelay $0x3  }
0x58: {  	v3 =	vtrunc.f32 v3  }
0x59: {  	v3 =	vcvt.f32.s32 v3;
	_ =	sdelay $0x1  }
0x5a: {  	v3 =	vadd.s32 $0xFFFFFFFF, v3  }
.Ltmp3:
0x5b: {  	_ = 	snop;
	(pc) =	sbr.rel .LBB2_4-.Ltmp3, $3  }
0x5c: {  	_ =	sdelay $0x1  }
0x5d: {  	v4 =	vor.u32 s18, v0  }
0x5e: {  	s18 =	simm.s32 $0x0;
	s19 =	simm.s32 $0x0;
	[tilespmem:v3+s12+$0x0] =	vst.idx.msk $0xffff, v4  }
.LBB2_11:
0x5f: {  	v4 =	vimm.s32 $0x1  }
.LBB2_8:
0x60: {  	s20 =	sshll.u32 s19, $0x4;
	s19 =	sadd.s32 $0x1, s19  }
0x61: {  	p1 =	sne.s32 s19, $0x8  }
.Ltmp4:
0x62: {  	_ = 	snop;
	(pc) =	sbr.rel @!p1 .LBB2_9-.Ltmp4, $4  }
0x63: {  	_ = 	snop  }
0x64: {  	vm0 =	veq.f32 v3, $0.0e+00  }
0x65: {  	v3 =	vsel vm0, $0x7F800000, v3;
	[tilespmem:s20+$0x12000] =	vst v4  }
0x66: {  	[tilespmem:s20+$0x12080] =	vst v3  }
.LBB2_4:
0x67: {  	s20 =	sshll.u32 s19, $0xD  }
.Ltmp5:
0x68: {  	s20 =	sadd.s32 s20, s4;
	(pc) =	sbr.rel @p0 .LBB2_11-.Ltmp5, $4  }
0x69: {  	[tilespmem:s13], [sflag:$0x1] =	stream.linear.gather [hbm4b:s20+s18], $0x10000, $0x38;
	[tilespmem:$0x12180] =	vst v63  }
0x6a: {  	_ =	swait.ge [sflag:s11], $0x10000  }
0x6b: {  	[sflag:s11] =	ssyncset.done $0x0  }
0x6c: {  	v3 =	vimm.f32 $0.0e+00;
	v4 =	vimm.s32 $0x0;
	[sflag:s11] =	ssyncadd.s32 $0xFFFF0000  }
0x6d: {  	s20 =	simm.s32 $0x0  }
.LBB2_6:
0x6e: {  	v5 =	vmov s20;
	_ =	sdelay $0x4  }
0x6f: {  	v5 =	vld.idx.msk [tilespmem:v5+s12+$0x0], $0xffff;
	_ =	sdelay $0x4  }
0x70: {  	v6 =	vshll.u32 v5, $0x3  }
0x71: {  	v7 =	vand.u32 $0x7F, v5;
	v6 =	vand.u32 $0xFFFFFC00, v6  }
0x72: {  	v6 =	vor.u32 v7, v6  }
0x73: {  	v6 =	vadd.s32 v1, v6;
	_ =	sdelay $0x4  }
0x74: {  	v6 =	vld.idx.msk [tilespmem:v6+s13+$0x0], $0xffff;
	_ =	sdelay $0x3  }
0x75: {  	s21 =	sadd.s32 $0x1, s20  }
0x76: {  	vm0 =	veq.f32 v3, $0.0e+00;
	s22 =	scvt.s32.f32 s21;
	vm1 =	veq.s32 v6, $0x0  }
0x77: {  	vm0 =	vmand vm0, vm1  }
0x78: {  	v3 =	vsel vm0, s22, v3  }
0x79: {  	(xrf0) =	vmin.scan.msk.f32 $0xffff, v3;
	_ =	sdelay $0x5  }
0x7a: {  	v6, _, _ =	vpop (xrf0)  }
0x7b: {  	(v2sf) =	vpush v6, $0xF;
	_ =	sdelay $0xe  }
0x7c: {  	p1 =	sgt.u32 s20, $0xFFE;
	s20 =	spop (v2sf)  }
0x7d: {  	p2 =	seq.f32 @!p1 s20, $0.0e+00;
	_ =	sdelay $0x1  }
0x7e: {  	p1 =	por p1, !p2  }
.Ltmp6:
0x7f: {  	_ = 	snop;
	(pc) =	sbr.rel @!p1 .LBB2_6-.Ltmp6, $3  }
0x80: {  	_ =	sdelay $0x1  }
0x81: {  	v5 =	vadd.s32 $0x1, v5  }
0x82: {  	v4 =	vsel vm0, v5, v4;
	s20 =	smov.u32 s21  }
.Ltmp7:
0x83: {  	(pc) =	sbr.rel .LBB2_8-.Ltmp7, $2  }
0x84: {  	_ =	sdelay $0x2  }
0x85: {  	v4 =	vmax.u32 v4, $0x1  }
.LBB2_10:
0x86: {  	_ =	sfence.sel $0x180000  }
0x87: {  	[bflag:$0x0] =	sbarrier.arrive $0xFFFF  }
0x88: {  	p0 =	sne.s32 s2, $0x0;
	_ =	strace $0x90000047  }
0x89: {  	s0 =	sadd.s32 @!p0 $0x100000, s0;
	[bflag:$0x2] =	sbarrier.arrive $0xFFFF  }
0x8a: {  	[sflag:s0] =	ssyncadd.tile.s32 @!p0 $0x1;
	_ =	shalt  }
.Lfunc_end2:
_tile_overlayer_lowered:
.L_overlay_start_2:
0x8b: {  	(tag) =	ssettag $0x2  }
0x8c: {  	s0 =	rddreg [dreg:$0x0];
	s2 =	stileid.u32  }
0x8d: {  	s1 =	rddreg [dreg:$0x1];
	p0 =	sne.s32 s2, $0x0  }
0x8e: {  	s3 =	rddreg [dreg:$0x2];
	[bflag:$0x3] =	sbarrier.arrive $0xFFFF;
	s2 =	simm.s32 @!p0 $0x1C01  }
0x8f: {  	[timem:s3], [sflag:s2] =	dma.local @!p0 [hbm:s0], s1  }
0x90: {  	s0 =	simm.s32 @!p0 $0x1  }
0x91: {  	_ =	swait.ge @!p0 [sflag:s0], s1  }
0x92: {  	s1 =	ssub.s32 @!p0 $0x0, s1;
	[sflag:s0] =	ssyncset.done @!p0 $0x0  }
0x93: {  	[sflag:s0] =	ssyncadd.s32 @!p0 s1  }
0x94: {  	[bflag:$0x3] =	sbarrier.arrive $0xFFFF  }
0x95: {  	_ =	shalt  }

</sc_bundles>
